<compile_context>
chip_gen: v7x
topology: tpu7x:2x2x1
jax: 0.10.2.dev20260603
libtpu: 0.0.44.dev20260713+nightly
codegen_flags: <defaults>
</compile_context>

<pallas_src>
import jax
import jax.numpy as jnp
from jax import lax
from jax.experimental import pallas as pl
from jax.experimental.pallas import tpu as pltpu
from jax.experimental.pallas import tpu_sc as plsc

_TEMPERATURE = 0.07
_BASE_TEMPERATURE = 0.07

_B = 128
_M = 16384
_D = 2048
_BLK = 4096
_NBLK = _M // _BLK

_INT_MAX = 2147483647


def _stats_body(logits_ref, cid_ref, tid_ref, cam_ref, trk_ref,
                loss_ref, hidx_ref,
                m_scr, s_scr, ps_scr, np_scr, hmin_scr, hidx_scr):
    j = pl.program_id(0)

    @pl.when(j == 0)
    def _init():
        m_scr[...] = jnp.full(m_scr.shape, -jnp.inf, m_scr.dtype)
        s_scr[...] = jnp.zeros(s_scr.shape, s_scr.dtype)
        ps_scr[...] = jnp.zeros(ps_scr.shape, ps_scr.dtype)
        np_scr[...] = jnp.zeros(np_scr.shape, np_scr.dtype)
        hmin_scr[...] = jnp.full(hmin_scr.shape, jnp.inf, hmin_scr.dtype)
        hidx_scr[...] = jnp.zeros(hidx_scr.shape, hidx_scr.dtype)

    logits = logits_ref[...]
    cid = cid_ref[...]
    cam = cid == cam_ref[...]
    keyrow = (cid << 16) | tid_ref[...]
    keycol = (cam_ref[...] << 16) | trk_ref[...]
    pos = keyrow == keycol

    a = logits * jnp.float32(1.0 / _TEMPERATURE)

    blk_max = jnp.max(jnp.where(cam, a, -jnp.inf), axis=1, keepdims=True)
    m_old = m_scr[...]
    m_new = jnp.maximum(m_old, blk_max)
    scale = jnp.where(m_old == m_new, jnp.float32(1.0), jnp.exp(m_old - m_new))
    blk_sum = jnp.sum(jnp.where(cam, jnp.exp(a - m_new), 0.0),
                      axis=1, keepdims=True)
    s_scr[...] = s_scr[...] * scale + blk_sum
    m_scr[...] = m_new

    ps_scr[...] = ps_scr[...] + jnp.sum(jnp.where(pos, a, 0.0),
                                        axis=1, keepdims=True)
    np_scr[...] = np_scr[...] + jnp.sum(jnp.where(pos, 1.0, 0.0),
                                        axis=1, keepdims=True)

    v = jnp.where(pos, a, jnp.inf)
    idx = lax.broadcasted_iota(jnp.int32, v.shape, 1) + j * _BLK
    w = _BLK // 2
    while w >= 128:
        v1, v2 = v[:, :w], v[:, w:]
        i1, i2 = idx[:, :w], idx[:, w:]
        lt = v2 < v1
        eq = v2 == v1
        v = jnp.minimum(v1, v2)
        idx = jnp.where(lt, i2, jnp.where(eq, jnp.minimum(i1, i2), i1))
        w //= 2
    blk_min = jnp.min(v, axis=1, keepdims=True)
    blk_arg = jnp.min(jnp.where(v == blk_min, idx, jnp.int32(_INT_MAX)),
                      axis=1, keepdims=True)
    better = blk_min < hmin_scr[...]
    tie = jnp.logical_and(blk_min == hmin_scr[...], blk_arg < hidx_scr[...])
    upd = jnp.logical_or(better, tie)
    hidx_scr[...] = jnp.where(upd, blk_arg, hidx_scr[...])
    hmin_scr[...] = jnp.where(better, blk_min, hmin_scr[...])

    @pl.when(j == _NBLK - 1)
    def _fin():
        mean_lp = ps_scr[...] / np_scr[...] - (m_scr[...] + jnp.log(s_scr[...]))
        loss_i = -(_TEMPERATURE / _BASE_TEMPERATURE) * mean_lp
        loss_ref[...] = jnp.sum(loss_i, axis=0, keepdims=True) * jnp.float32(1.0 / _B)
        hidx_ref[...] = hidx_scr[...]


_stats_call = pl.pallas_call(
    _stats_body,
    grid=(_NBLK,),
    in_specs=[
        pl.BlockSpec((_B, _BLK), lambda j: (0, j)),
        pl.BlockSpec((1, _BLK), lambda j: (0, j)),
        pl.BlockSpec((1, _BLK), lambda j: (0, j)),
        pl.BlockSpec((_B, 1), lambda j: (0, 0)),
        pl.BlockSpec((_B, 1), lambda j: (0, 0)),
    ],
    out_specs=[
        pl.BlockSpec((1, 1), lambda j: (0, 0)),
        pl.BlockSpec((_B, 1), lambda j: (0, 0)),
    ],
    out_shape=[
        jax.ShapeDtypeStruct((1, 1), jnp.float32),
        jax.ShapeDtypeStruct((_B, 1), jnp.int32),
    ],
    scratch_shapes=[
        pltpu.VMEM((_B, 1), jnp.float32),
        pltpu.VMEM((_B, 1), jnp.float32),
        pltpu.VMEM((_B, 1), jnp.float32),
        pltpu.VMEM((_B, 1), jnp.float32),
        pltpu.VMEM((_B, 1), jnp.float32),
        pltpu.VMEM((_B, 1), jnp.int32),
    ],
)

_NC = 1
_NS = 16
_NW = _NC * _NS
_RPW = _B // _NW


def _gather_body(mem_hbm, idx_hbm, out_hbm, idx_v, rows_v, sem):
    wid = lax.axis_index("s") * _NC + lax.axis_index("c")
    base = wid * _RPW
    pltpu.sync_copy(idx_hbm.at[pl.ds(base, _RPW)], idx_v)
    pltpu.async_copy(mem_hbm.at[idx_v], rows_v, sem).wait()
    pltpu.sync_copy(rows_v, out_hbm.at[pl.ds(base, _RPW)])


_gather_call = pl.kernel(
    _gather_body,
    out_type=jax.ShapeDtypeStruct((_B, _D), jnp.float32),
    mesh=plsc.VectorSubcoreMesh(core_axis_name="c", subcore_axis_name="s",
                                num_cores=_NC),
    scratch_types=[
        pltpu.VMEM((_RPW,), jnp.int32),
        pltpu.VMEM((_RPW, _D), jnp.float32),
        pltpu.SemaphoreType.DMA,
    ],
)


def kernel(mem, logits, mem_CID, mem_TID, camids, trackids):
    loss2, hidx2 = _stats_call(
        logits,
        mem_CID.reshape(1, _M),
        mem_TID.reshape(1, _M),
        camids.reshape(_B, 1),
        trackids.reshape(_B, 1),
    )
    hard_pos = _gather_call(mem, hidx2.reshape(_B))
    return loss2[0, 0], hard_pos

# --- scband reference (transcript-rebuilt; emitter-appended) ---
"""Pipeline reference for scband-ctam-sscl-loss-45311904973350 (READ-ONLY COPY).

The authoritative reference and input builder live on the scoring server;
editing this copy changes nothing except your own understanding.
"""

import jax, jax.numpy as jnp
import numpy as np

TEMPERATURE = 0.07
BASE_TEMPERATURE = 0.07


def setup_inputs(seed: int = 0):
    key = jax.random.key(seed)
    k1, k2, k3, k4 = jax.random.split(key, 4)
    M, d, B = 16384, 2048, 128
    n_cams, n_tracks = 8, 1500
    mem = jax.random.normal(k1, (M, d), dtype=jnp.float32)
    mem = mem / (jnp.linalg.norm(mem, axis=1, keepdims=True) + 1e-6)
    logits = jax.random.normal(k2, (B, M), dtype=jnp.float32) * 0.1
    mem_CID = jax.random.randint(k3, (M,), 0, n_cams, dtype=jnp.int32)
    mem_TID = jax.random.randint(k4, (M,), 0, n_tracks, dtype=jnp.int32)
    # anchors are drawn from the memory bank itself so every anchor is
    # guaranteed at least one (camera, tracklet) positive in memory
    anchor_idx = jnp.arange(B, dtype=jnp.int32) * (M // B)
    camids = mem_CID[anchor_idx]
    trackids = mem_TID[anchor_idx]
    return {"mem": mem, "logits": logits, "mem_CID": mem_CID,
            "mem_TID": mem_TID, "camids": camids, "trackids": trackids}


def _forward(mem, logits, mem_CID, mem_TID, camids, trackids):
    # type='local' branch of CTAM_SSCL_Loss.forward, rewritten with boolean
    # masks as where-masks (mathematically identical) so it is jit/vjp-safe.
    def per_anchor(feat_row, camid, trackid):
        cam_mask = mem_CID == camid                      # feat[mem_CID == camids[i]]
        pos_mask = jnp.logical_and(cam_mask, mem_TID == trackid)
        # hard positive: argmin similarity among same-cam same-track entries
        hard_idx = jnp.argmin(jnp.where(pos_mask, feat_row, jnp.inf))
        th_pos = mem[hard_idx]
        a = feat_row / TEMPERATURE
        lmax = jax.lax.stop_gradient(jnp.max(jnp.where(cam_mask, a, -jnp.inf)))
        a = a - lmax
        a_safe = jnp.where(cam_mask, a, 0.0)
        exp_sum = jnp.sum(jnp.where(cam_mask, jnp.exp(a_safe), 0.0))
        num_pos = jnp.sum(pos_mask).astype(jnp.float32)
        log_prob_sum = jnp.sum(jnp.where(pos_mask, a_safe, 0.0)) - num_pos * jnp.log(exp_sum)
        mean_log_prob_pos = log_prob_sum / num_pos
        loss_i = -(TEMPERATURE / BASE_TEMPERATURE) * mean_log_prob_pos
        return loss_i, th_pos

    losses, hard_pos = jax.vmap(per_anchor)(logits, camids, trackids)
    return jnp.mean(losses), hard_pos


def reference(mem, logits, mem_CID, mem_TID, camids, trackids):
    return _forward(mem, logits, mem_CID, mem_TID, camids, trackids)

if __name__ == "__main__":
    import jax
    _d = setup_inputs()
    print(jax.jit(kernel)(*tuple(_d.values())))

</pallas_src>

<mosaic_0001>
#map = affine_map<(d0, d1) -> (0, 0)>
#map1 = affine_map<(d0, d1) -> (0)>
module attributes {stable_mosaic.version = 14 : i64} {
  func.func @_gather_body(%arg0: i32, %arg1: i32, %arg2: memref<16384x2048xf32, #tpu.memory_space<hbm>>, %arg3: memref<128xi32, #tpu.memory_space<hbm>>, %arg4: memref<128x2048xf32, #tpu.memory_space<hbm>>, %arg5: memref<8xi32, #tpu.memory_space<vmem>>, %arg6: memref<8x2048xf32, #tpu.memory_space<vmem>>, %arg7: memref<!tpu.dma_semaphore, #tpu.memory_space<semaphore_mem>>) attributes {dimension_semantics = [#tpu.dimension_semantics<core_parallel>, #tpu.dimension_semantics<subcore_parallel>], iteration_bounds = array<i64: 1, 16>, scalar_prefetch = 0 : i64, scratch_operands = 3 : i64, tpu.core_type = #tpu.core_type<sc_vector_subcore>, window_params = [{transform_indices = #map}, {transform_indices = #map1}, {transform_indices = #map}]} {
    %mul3A = arith.constant 1 : i32
    %mul3A_0 = arith.muli %arg1, %mul3A : i32
    %add3A = arith.addi %mul3A_0, %arg0 : i32
    %mul3A_1 = arith.constant 8 : i32
    %mul3A_2 = arith.muli %add3A, %mul3A_1 : i32
    "tpu.region"() ({
      %run_scoped3A = tpu.sem_alloc : memref<!tpu.dma_semaphore, #tpu.memory_space<semaphore_mem>>
      %dma_start3A_7 = tpu.memref_slice %arg3[%mul3A_2] : memref<128xi32, #tpu.memory_space<hbm>> -> memref<8xi32, #tpu.memory_space<hbm>>
      %dma_start3A_8 = tpu.memref_slice %arg3[%mul3A_2] : memref<128xi32, #tpu.memory_space<hbm>> -> memref<8xi32, #tpu.memory_space<hbm>>
      tpu.enqueue_dma source(%dma_start3A_8 : memref<8xi32, #tpu.memory_space<hbm>>) target(%arg5 : memref<8xi32, #tpu.memory_space<vmem>>) target_semaphore(%run_scoped3A : memref<!tpu.dma_semaphore, #tpu.memory_space<semaphore_mem>>)
      %dma_wait3A_9 = tpu.memref_slice %arg3[%mul3A_2] : memref<128xi32, #tpu.memory_space<hbm>> -> memref<8xi32, #tpu.memory_space<hbm>>
      %dma_wait3A_10 = tpu.memref_slice %arg3[%mul3A_2] : memref<128xi32, #tpu.memory_space<hbm>> -> memref<8xi32, #tpu.memory_space<hbm>>
      tpu.wait_dma2 semaphore(%run_scoped3A : memref<!tpu.dma_semaphore, #tpu.memory_space<semaphore_mem>>) src(%dma_wait3A_10 : memref<8xi32, #tpu.memory_space<hbm>>) dst(%arg5 : memref<8xi32, #tpu.memory_space<vmem>>)
      tpu.yield
    }) : () -> ()
    %dma_start3A = arith.constant 0 : i32
    %dma_start3A_3 = arith.constant 0 : i32
    %dma_start3A_4 = tpu.memref_slice %arg2[%dma_start3A, %dma_start3A_3] : memref<16384x2048xf32, #tpu.memory_space<hbm>> -> memref<16384x2048xf32, #tpu.memory_space<hbm>>
    tpu.enqueue_indirect_dma source(%dma_start3A_4 : memref<16384x2048xf32, #tpu.memory_space<hbm>>) target(%arg6 : memref<8x2048xf32, #tpu.memory_space<vmem>>) offsets(%arg5 : memref<8xi32, #tpu.memory_space<vmem>>) semaphore(%arg7 : memref<!tpu.dma_semaphore, #tpu.memory_space<semaphore_mem>>)
    %dma_wait3A = arith.constant 0 : i32
    %dma_wait3A_5 = arith.constant 0 : i32
    %dma_wait3A_6 = tpu.memref_slice %arg2[%dma_wait3A, %dma_wait3A_5] : memref<16384x2048xf32, #tpu.memory_space<hbm>> -> memref<16384x2048xf32, #tpu.memory_space<hbm>>
    tpu.wait_indirect_dma semaphore(%arg7 : memref<!tpu.dma_semaphore, #tpu.memory_space<semaphore_mem>>) src(%dma_wait3A_6 : memref<16384x2048xf32, #tpu.memory_space<hbm>>) dst(%arg6 : memref<8x2048xf32, #tpu.memory_space<vmem>>)
    "tpu.region"() ({
      %run_scoped3A = tpu.sem_alloc : memref<!tpu.dma_semaphore, #tpu.memory_space<semaphore_mem>>
      %dma_start3A_7 = arith.constant 0 : i32
      %dma_start3A_8 = tpu.memref_slice %arg4[%mul3A_2, %dma_start3A_7] : memref<128x2048xf32, #tpu.memory_space<hbm>> -> memref<8x2048xf32, #tpu.memory_space<hbm>>
      %dma_start3A_9 = arith.constant 0 : i32
      %dma_start3A_10 = tpu.memref_slice %arg4[%mul3A_2, %dma_start3A_9] : memref<128x2048xf32, #tpu.memory_space<hbm>> -> memref<8x2048xf32, #tpu.memory_space<hbm>>
      tpu.enqueue_dma source(%arg6 : memref<8x2048xf32, #tpu.memory_space<vmem>>) target(%dma_start3A_10 : memref<8x2048xf32, #tpu.memory_space<hbm>>) target_semaphore(%run_scoped3A : memref<!tpu.dma_semaphore, #tpu.memory_space<semaphore_mem>>)
      %dma_wait3A_11 = arith.constant 0 : i32
      %dma_wait3A_12 = tpu.memref_slice %arg4[%mul3A_2, %dma_wait3A_11] : memref<128x2048xf32, #tpu.memory_space<hbm>> -> memref<8x2048xf32, #tpu.memory_space<hbm>>
      %dma_wait3A_13 = arith.constant 0 : i32
      %dma_wait3A_14 = tpu.memref_slice %arg4[%mul3A_2, %dma_wait3A_13] : memref<128x2048xf32, #tpu.memory_space<hbm>> -> memref<8x2048xf32, #tpu.memory_space<hbm>>
      tpu.wait_dma2 semaphore(%run_scoped3A : memref<!tpu.dma_semaphore, #tpu.memory_space<semaphore_mem>>) src(%arg6 : memref<8x2048xf32, #tpu.memory_space<vmem>>) dst(%dma_wait3A_14 : memref<8x2048xf32, #tpu.memory_space<hbm>>)
      tpu.yield
    }) : () -> ()
    return
  }
}

module attributes {stable_mosaic.version = 14 : i64} {
  func.func @_stats_body(%arg0: i32, %arg1: memref<128x4096xf32, #tpu.memory_space<vmem>>, %arg2: memref<1x4096xi32, #tpu.memory_space<vmem>>, %arg3: memref<1x4096xi32, #tpu.memory_space<vmem>>, %arg4: memref<128x1xi32, #tpu.memory_space<vmem>>, %arg5: memref<128x1xi32, #tpu.memory_space<vmem>>, %arg6: memref<1x1xf32, #tpu.memory_space<vmem>>, %arg7: memref<128x1xi32, #tpu.memory_space<vmem>>, %arg8: memref<128x1xf32, #tpu.memory_space<vmem>>, %arg9: memref<128x1xf32, #tpu.memory_space<vmem>>, %arg10: memref<128x1xf32, #tpu.memory_space<vmem>>, %arg11: memref<128x1xf32, #tpu.memory_space<vmem>>, %arg12: memref<128x1xf32, #tpu.memory_space<vmem>>, %arg13: memref<128x1xi32, #tpu.memory_space<vmem>>) attributes {dimension_semantics = [#tpu.dimension_semantics<arbitrary>], iteration_bounds = array<i64: 4>, scalar_prefetch = 0 : i64, scratch_operands = 6 : i64, tpu.core_type = #tpu.core_type<tc>, window_params = [{transform_indices = @transform_0, window_bounds = array<i64: 128, 4096>}, {transform_indices = @transform_1, window_bounds = array<i64: 1, 4096>}, {transform_indices = @transform_2, window_bounds = array<i64: 1, 4096>}, {pipeline_mode = #tpu.pipeline_mode<synchronous>, transform_indices = @transform_3, window_bounds = array<i64: 128, 1>}, {pipeline_mode = #tpu.pipeline_mode<synchronous>, transform_indices = @transform_4, window_bounds = array<i64: 128, 1>}, {pipeline_mode = #tpu.pipeline_mode<synchronous>, transform_indices = @transform_5, window_bounds = array<i64: 1, 1>}, {pipeline_mode = #tpu.pipeline_mode<synchronous>, transform_indices = @transform_6, window_bounds = array<i64: 128, 1>}]} {
    %eq3A = arith.constant 0 : i32
    %eq3A_0 = arith.cmpi eq, %arg0, %eq3A : i32
    %convert_element_type3A = arith.extui %eq3A_0 : i1 to i32
    %cond3A = arith.constant 0 : i32
    %cond3A_1 = arith.cmpi ne, %convert_element_type3A, %cond3A : i32
    scf.if %cond3A_1 {
      %broadcast_in_dim3A_183 = arith.constant 0xFF800000 : f32
      %broadcast_in_dim3A_184 = vector.broadcast %broadcast_in_dim3A_183 : f32 to vector<128x1xf32>
      %swap3A_185 = arith.constant 0 : index
      %swap3A_186 = arith.constant 0 : index
      %swap3A_187 = vector.load %arg8[%swap3A_185, %swap3A_186] : memref<128x1xf32, #tpu.memory_space<vmem>>, vector<128x1xf32>
      tpu.vector_store %arg8[%swap3A_185, %swap3A_186], %broadcast_in_dim3A_184 {strides = array<i32>} : memref<128x1xf32, #tpu.memory_space<vmem>>, vector<128x1xf32>,
      %broadcast_in_dim3A_188 = arith.constant 0.000000e+00 : f32
      %broadcast_in_dim3A_189 = vector.broadcast %broadcast_in_dim3A_188 : f32 to vector<128x1xf32>
      %swap3A_190 = arith.constant 0 : index
      %swap3A_191 = arith.constant 0 : index
      %swap3A_192 = vector.load %arg9[%swap3A_190, %swap3A_191] : memref<128x1xf32, #tpu.memory_space<vmem>>, vector<128x1xf32>
      tpu.vector_store %arg9[%swap3A_190, %swap3A_191], %broadcast_in_dim3A_189 {strides = array<i32>} : memref<128x1xf32, #tpu.memory_space<vmem>>, vector<128x1xf32>,
      %broadcast_in_dim3A_193 = arith.constant 0.000000e+00 : f32
      %broadcast_in_dim3A_194 = vector.broadcast %broadcast_in_dim3A_193 : f32 to vector<128x1xf32>
      %swap3A_195 = arith.constant 0 : index
      %swap3A_196 = arith.constant 0 : index
      %swap3A_197 = vector.load %arg10[%swap3A_195, %swap3A_196] : memref<128x1xf32, #tpu.memory_space<vmem>>, vector<128x1xf32>
      tpu.vector_store %arg10[%swap3A_195, %swap3A_196], %broadcast_in_dim3A_194 {strides = array<i32>} : memref<128x1xf32, #tpu.memory_space<vmem>>, vector<128x1xf32>,
      %broadcast_in_dim3A_198 = arith.constant 0.000000e+00 : f32
      %broadcast_in_dim3A_199 = vector.broadcast %broadcast_in_dim3A_198 : f32 to vector<128x1xf32>
      %swap3A_200 = arith.constant 0 : index
      %swap3A_201 = arith.constant 0 : index
      %swap3A_202 = vector.load %arg11[%swap3A_200, %swap3A_201] : memref<128x1xf32, #tpu.memory_space<vmem>>, vector<128x1xf32>
      tpu.vector_store %arg11[%swap3A_200, %swap3A_201], %broadcast_in_dim3A_199 {strides = array<i32>} : memref<128x1xf32, #tpu.memory_space<vmem>>, vector<128x1xf32>,
      %broadcast_in_dim3A_203 = arith.constant 0x7F800000 : f32
      %broadcast_in_dim3A_204 = vector.broadcast %broadcast_in_dim3A_203 : f32 to vector<128x1xf32>
      %swap3A_205 = arith.constant 0 : index
      %swap3A_206 = arith.constant 0 : index
      %swap3A_207 = vector.load %arg12[%swap3A_205, %swap3A_206] : memref<128x1xf32, #tpu.memory_space<vmem>>, vector<128x1xf32>
      tpu.vector_store %arg12[%swap3A_205, %swap3A_206], %broadcast_in_dim3A_204 {strides = array<i32>} : memref<128x1xf32, #tpu.memory_space<vmem>>, vector<128x1xf32>,
      %broadcast_in_dim3A_208 = arith.constant 0 : i32
      %broadcast_in_dim3A_209 = vector.broadcast %broadcast_in_dim3A_208 : i32 to vector<128x1xi32>
      %swap3A_210 = arith.constant 0 : index
      %swap3A_211 = arith.constant 0 : index
      %swap3A_212 = vector.load %arg13[%swap3A_210, %swap3A_211] : memref<128x1xi32, #tpu.memory_space<vmem>>, vector<128x1xi32>
      tpu.vector_store %arg13[%swap3A_210, %swap3A_211], %broadcast_in_dim3A_209 {strides = array<i32>} : memref<128x1xi32, #tpu.memory_space<vmem>>, vector<128x1xi32>,
    } else {
    }
    %get3A = arith.constant 0 : index
    %get3A_2 = arith.constant 0 : index
    %get3A_3 = vector.load %arg1[%get3A, %get3A_2] : memref<128x4096xf32, #tpu.memory_space<vmem>>, vector<128x4096xf32>
    %get3A_4 = arith.constant 0 : index
    %get3A_5 = arith.constant 0 : index
    %get3A_6 = vector.load %arg2[%get3A_4, %get3A_5] : memref<1x4096xi32, #tpu.memory_space<vmem>>, vector<1x4096xi32>
    %get3A_7 = arith.constant 0 : index
    %get3A_8 = arith.constant 0 : index
    %get3A_9 = vector.load %arg4[%get3A_7, %get3A_8] : memref<128x1xi32, #tpu.memory_space<vmem>>, vector<128x1xi32>
    %eq3A_10 = vector.broadcast %get3A_6 : vector<1x4096xi32> to vector<128x4096xi32>
    %eq3A_11 = vector.broadcast %get3A_9 : vector<128x1xi32> to vector<128x4096xi32>
    %eq3A_12 = arith.cmpi eq, %eq3A_10, %eq3A_11 : vector<128x4096xi32>
    %shift_left3A = arith.constant 16 : i32
    %shift_left3A_13 = vector.broadcast %shift_left3A : i32 to vector<1x4096xi32>
    %shift_left3A_14 = arith.shli %get3A_6, %shift_left3A_13 : vector<1x4096xi32>
    %get3A_15 = arith.constant 0 : index
    %get3A_16 = arith.constant 0 : index
    %get3A_17 = vector.load %arg3[%get3A_15, %get3A_16] : memref<1x4096xi32, #tpu.memory_space<vmem>>, vector<1x4096xi32>
    %or3A = arith.ori %shift_left3A_14, %get3A_17 : vector<1x4096xi32>
    %get3A_18 = arith.constant 0 : index
    %get3A_19 = arith.constant 0 : index
    %get3A_20 = vector.load %arg4[%get3A_18, %get3A_19] : memref<128x1xi32, #tpu.memory_space<vmem>>, vector<128x1xi32>
    %shift_left3A_21 = arith.constant 16 : i32
    %shift_left3A_22 = vector.broadcast %shift_left3A_21 : i32 to vector<128x1xi32>
    %shift_left3A_23 = arith.shli %get3A_20, %shift_left3A_22 : vector<128x1xi32>
    %get3A_24 = arith.constant 0 : index
    %get3A_25 = arith.constant 0 : index
    %get3A_26 = vector.load %arg5[%get3A_24, %get3A_25] : memref<128x1xi32, #tpu.memory_space<vmem>>, vector<128x1xi32>
    %or3A_27 = arith.ori %shift_left3A_23, %get3A_26 : vector<128x1xi32>
    %eq3A_28 = vector.broadcast %or3A : vector<1x4096xi32> to vector<128x4096xi32>
    %eq3A_29 = vector.broadcast %or3A_27 : vector<128x1xi32> to vector<128x4096xi32>
    %eq3A_30 = arith.cmpi eq, %eq3A_28, %eq3A_29 : vector<128x4096xi32>
    %mul3A = arith.constant 14.2857141 : f32
    %mul3A_31 = vector.broadcast %mul3A : f32 to vector<128x4096xf32>
    %mul3A_32 = arith.mulf %get3A_3, %mul3A_31 : vector<128x4096xf32>
    %jit3A = arith.constant 0xFF800000 : f32
    %broadcast_in_dim3A = vector.broadcast %jit3A : f32 to vector<128x4096xf32>
    %select_n3A = arith.select %eq3A_12, %mul3A_32, %broadcast_in_dim3A : vector<128x4096xi1>, vector<128x4096xf32>
    %reduce_max3A = arith.constant dense<0xFF800000> : vector<128xf32>
    %reduce_max3A_33 = vector.multi_reduction <maximumf>, %select_n3A, %reduce_max3A [1] : vector<128x4096xf32> to vector<128xf32>
    %broadcast_in_dim3A_34 = vector.shape_cast %reduce_max3A_33 : vector<128xf32> to vector<128x1xf32>
    %get3A_35 = arith.constant 0 : index
    %get3A_36 = arith.constant 0 : index
    %get3A_37 = vector.load %arg8[%get3A_35, %get3A_36] : memref<128x1xf32, #tpu.memory_space<vmem>>, vector<128x1xf32>
    %max3A = arith.maximumf %get3A_37, %broadcast_in_dim3A_34 : vector<128x1xf32>
    %eq3A_38 = arith.cmpf oeq, %get3A_37, %max3A : vector<128x1xf32>
    %sub3A = arith.subf %get3A_37, %max3A : vector<128x1xf32>
    %exp3A = math.exp %sub3A : vector<128x1xf32>
    %jit3A_39 = arith.constant 1.000000e+00 : f32
    %broadcast_in_dim3A_40 = vector.broadcast %jit3A_39 : f32 to vector<128x1xf32>
    %select_n3A_41 = arith.select %eq3A_38, %broadcast_in_dim3A_40, %exp3A : vector<128x1xi1>, vector<128x1xf32>
    %sub3A_42 = vector.broadcast %max3A : vector<128x1xf32> to vector<128x4096xf32>
    %sub3A_43 = arith.subf %mul3A_32, %sub3A_42 : vector<128x4096xf32>
    %exp3A_44 = math.exp %sub3A_43 : vector<128x4096xf32>
    %jit3A_45 = arith.constant 0.000000e+00 : f32
    %broadcast_in_dim3A_46 = vector.broadcast %jit3A_45 : f32 to vector<128x4096xf32>
    %select_n3A_47 = arith.select %eq3A_12, %exp3A_44, %broadcast_in_dim3A_46 : vector<128x4096xi1>, vector<128x4096xf32>
    %reduce_sum3A = arith.constant dense<0.000000e+00> : vector<128xf32>
    %reduce_sum3A_48 = vector.multi_reduction <add>, %select_n3A_47, %reduce_sum3A [1] : vector<128x4096xf32> to vector<128xf32>
    %broadcast_in_dim3A_49 = vector.shape_cast %reduce_sum3A_48 : vector<128xf32> to vector<128x1xf32>
    %get3A_50 = arith.constant 0 : index
    %get3A_51 = arith.constant 0 : index
    %get3A_52 = vector.load %arg9[%get3A_50, %get3A_51] : memref<128x1xf32, #tpu.memory_space<vmem>>, vector<128x1xf32>
    %mul3A_53 = arith.mulf %get3A_52, %select_n3A_41 : vector<128x1xf32>
    %add3A = arith.addf %mul3A_53, %broadcast_in_dim3A_49 : vector<128x1xf32>
    %swap3A = arith.constant 0 : index
    %swap3A_54 = arith.constant 0 : index
    %swap3A_55 = vector.load %arg9[%swap3A, %swap3A_54] : memref<128x1xf32, #tpu.memory_space<vmem>>, vector<128x1xf32>
    tpu.vector_store %arg9[%swap3A, %swap3A_54], %add3A {strides = array<i32>} : memref<128x1xf32, #tpu.memory_space<vmem>>, vector<128x1xf32>,
    %swap3A_56 = arith.constant 0 : index
    %swap3A_57 = arith.constant 0 : index
    %swap3A_58 = vector.load %arg8[%swap3A_56, %swap3A_57] : memref<128x1xf32, #tpu.memory_space<vmem>>, vector<128x1xf32>
    tpu.vector_store %arg8[%swap3A_56, %swap3A_57], %max3A {strides = array<i32>} : memref<128x1xf32, #tpu.memory_space<vmem>>, vector<128x1xf32>,
    %get3A_59 = arith.constant 0 : index
    %get3A_60 = arith.constant 0 : index
    %get3A_61 = vector.load %arg10[%get3A_59, %get3A_60] : memref<128x1xf32, #tpu.memory_space<vmem>>, vector<128x1xf32>
    %jit3A_62 = arith.constant 0.000000e+00 : f32
    %broadcast_in_dim3A_63 = vector.broadcast %jit3A_62 : f32 to vector<128x4096xf32>
    %select_n3A_64 = arith.select %eq3A_30, %mul3A_32, %broadcast_in_dim3A_63 : vector<128x4096xi1>, vector<128x4096xf32>
    %reduce_sum3A_65 = arith.constant dense<0.000000e+00> : vector<128xf32>
    %reduce_sum3A_66 = vector.multi_reduction <add>, %select_n3A_64, %reduce_sum3A_65 [1] : vector<128x4096xf32> to vector<128xf32>
    %broadcast_in_dim3A_67 = vector.shape_cast %reduce_sum3A_66 : vector<128xf32> to vector<128x1xf32>
    %add3A_68 = arith.addf %get3A_61, %broadcast_in_dim3A_67 : vector<128x1xf32>
    %swap3A_69 = arith.constant 0 : index
    %swap3A_70 = arith.constant 0 : index
    %swap3A_71 = vector.load %arg10[%swap3A_69, %swap3A_70] : memref<128x1xf32, #tpu.memory_space<vmem>>, vector<128x1xf32>
    tpu.vector_store %arg10[%swap3A_69, %swap3A_70], %add3A_68 {strides = array<i32>} : memref<128x1xf32, #tpu.memory_space<vmem>>, vector<128x1xf32>,
    %get3A_72 = arith.constant 0 : index
    %get3A_73 = arith.constant 0 : index
    %get3A_74 = vector.load %arg11[%get3A_72, %get3A_73] : memref<128x1xf32, #tpu.memory_space<vmem>>, vector<128x1xf32>
    %jit3A_75 = arith.constant 1.000000e+00 : f32
    %jit3A_76 = arith.constant 0.000000e+00 : f32
    %broadcast_in_dim3A_77 = vector.broadcast %jit3A_75 : f32 to vector<128x4096xf32>
    %broadcast_in_dim3A_78 = vector.broadcast %jit3A_76 : f32 to vector<128x4096xf32>
    %select_n3A_79 = arith.select %eq3A_30, %broadcast_in_dim3A_77, %broadcast_in_dim3A_78 : vector<128x4096xi1>, vector<128x4096xf32>
    %reduce_sum3A_80 = arith.constant dense<0.000000e+00> : vector<128xf32>
    %reduce_sum3A_81 = vector.multi_reduction <add>, %select_n3A_79, %reduce_sum3A_80 [1] : vector<128x4096xf32> to vector<128xf32>
    %broadcast_in_dim3A_82 = vector.shape_cast %reduce_sum3A_81 : vector<128xf32> to vector<128x1xf32>
    %add3A_83 = arith.addf %get3A_74, %broadcast_in_dim3A_82 : vector<128x1xf32>
    %swap3A_84 = arith.constant 0 : index
    %swap3A_85 = arith.constant 0 : index
    %swap3A_86 = vector.load %arg11[%swap3A_84, %swap3A_85] : memref<128x1xf32, #tpu.memory_space<vmem>>, vector<128x1xf32>
    tpu.vector_store %arg11[%swap3A_84, %swap3A_85], %add3A_83 {strides = array<i32>} : memref<128x1xf32, #tpu.memory_space<vmem>>, vector<128x1xf32>,
    %jit3A_87 = arith.constant 0x7F800000 : f32
    %broadcast_in_dim3A_88 = vector.broadcast %jit3A_87 : f32 to vector<128x4096xf32>
    %select_n3A_89 = arith.select %eq3A_30, %mul3A_32, %broadcast_in_dim3A_88 : vector<128x4096xi1>, vector<128x4096xf32>
    %iota3A = tpu.iota {dimensions = array<i32: 1>} : vector<128x4096xi32>
    %mul3A_90 = arith.constant 4096 : i32
    %mul3A_91 = arith.muli %arg0, %mul3A_90 : i32
    %add3A_92 = vector.broadcast %mul3A_91 : i32 to vector<128x4096xi32>
    %add3A_93 = arith.addi %iota3A, %add3A_92 : vector<128x4096xi32>
    %slice3A = vector.extract_strided_slice %select_n3A_89 {offsets = [0, 0], sizes = [128, 2048], strides = [1, 1]} : vector<128x4096xf32> to vector<128x2048xf32>
    %slice3A_94 = vector.extract_strided_slice %select_n3A_89 {offsets = [0, 2048], sizes = [128, 2048], strides = [1, 1]} : vector<128x4096xf32> to vector<128x2048xf32>
    %slice3A_95 = vector.extract_strided_slice %add3A_93 {offsets = [0, 0], sizes = [128, 2048], strides = [1, 1]} : vector<128x4096xi32> to vector<128x2048xi32>
    %slice3A_96 = vector.extract_strided_slice %add3A_93 {offsets = [0, 2048], sizes = [128, 2048], strides = [1, 1]} : vector<128x4096xi32> to vector<128x2048xi32>
    %lt3A = arith.cmpf olt, %slice3A_94, %slice3A : vector<128x2048xf32>
    %eq3A_97 = arith.cmpf oeq, %slice3A_94, %slice3A : vector<128x2048xf32>
    %min3A = arith.minimumf %slice3A, %slice3A_94 : vector<128x2048xf32>
    %min3A_98 = arith.minsi %slice3A_95, %slice3A_96 : vector<128x2048xi32>
    %select_n3A_99 = arith.select %eq3A_97, %min3A_98, %slice3A_95 : vector<128x2048xi1>, vector<128x2048xi32>
    %select_n3A_100 = arith.select %lt3A, %slice3A_96, %select_n3A_99 : vector<128x2048xi1>, vector<128x2048xi32>
    %slice3A_101 = vector.extract_strided_slice %min3A {offsets = [0, 0], sizes = [128, 1024], strides = [1, 1]} : vector<128x2048xf32> to vector<128x1024xf32>
    %slice3A_102 = vector.extract_strided_slice %min3A {offsets = [0, 1024], sizes = [128, 1024], strides = [1, 1]} : vector<128x2048xf32> to vector<128x1024xf32>
    %slice3A_103 = vector.extract_strided_slice %select_n3A_100 {offsets = [0, 0], sizes = [128, 1024], strides = [1, 1]} : vector<128x2048xi32> to vector<128x1024xi32>
    %slice3A_104 = vector.extract_strided_slice %select_n3A_100 {offsets = [0, 1024], sizes = [128, 1024], strides = [1, 1]} : vector<128x2048xi32> to vector<128x1024xi32>
    %lt3A_105 = arith.cmpf olt, %slice3A_102, %slice3A_101 : vector<128x1024xf32>
    %eq3A_106 = arith.cmpf oeq, %slice3A_102, %slice3A_101 : vector<128x1024xf32>
    %min3A_107 = arith.minimumf %slice3A_101, %slice3A_102 : vector<128x1024xf32>
    %min3A_108 = arith.minsi %slice3A_103, %slice3A_104 : vector<128x1024xi32>
    %select_n3A_109 = arith.select %eq3A_106, %min3A_108, %slice3A_103 : vector<128x1024xi1>, vector<128x1024xi32>
    %select_n3A_110 = arith.select %lt3A_105, %slice3A_104, %select_n3A_109 : vector<128x1024xi1>, vector<128x1024xi32>
    %slice3A_111 = vector.extract_strided_slice %min3A_107 {offsets = [0, 0], sizes = [128, 512], strides = [1, 1]} : vector<128x1024xf32> to vector<128x512xf32>
    %slice3A_112 = vector.extract_strided_slice %min3A_107 {offsets = [0, 512], sizes = [128, 512], strides = [1, 1]} : vector<128x1024xf32> to vector<128x512xf32>
    %slice3A_113 = vector.extract_strided_slice %select_n3A_110 {offsets = [0, 0], sizes = [128, 512], strides = [1, 1]} : vector<128x1024xi32> to vector<128x512xi32>
    %slice3A_114 = vector.extract_strided_slice %select_n3A_110 {offsets = [0, 512], sizes = [128, 512], strides = [1, 1]} : vector<128x1024xi32> to vector<128x512xi32>
    %lt3A_115 = arith.cmpf olt, %slice3A_112, %slice3A_111 : vector<128x512xf32>
    %eq3A_116 = arith.cmpf oeq, %slice3A_112, %slice3A_111 : vector<128x512xf32>
    %min3A_117 = arith.minimumf %slice3A_111, %slice3A_112 : vector<128x512xf32>
    %min3A_118 = arith.minsi %slice3A_113, %slice3A_114 : vector<128x512xi32>
    %select_n3A_119 = arith.select %eq3A_116, %min3A_118, %slice3A_113 : vector<128x512xi1>, vector<128x512xi32>
    %select_n3A_120 = arith.select %lt3A_115, %slice3A_114, %select_n3A_119 : vector<128x512xi1>, vector<128x512xi32>
    %slice3A_121 = vector.extract_strided_slice %min3A_117 {offsets = [0, 0], sizes = [128, 256], strides = [1, 1]} : vector<128x512xf32> to vector<128x256xf32>
    %slice3A_122 = vector.extract_strided_slice %min3A_117 {offsets = [0, 256], sizes = [128, 256], strides = [1, 1]} : vector<128x512xf32> to vector<128x256xf32>
    %slice3A_123 = vector.extract_strided_slice %select_n3A_120 {offsets = [0, 0], sizes = [128, 256], strides = [1, 1]} : vector<128x512xi32> to vector<128x256xi32>
    %slice3A_124 = vector.extract_strided_slice %select_n3A_120 {offsets = [0, 256], sizes = [128, 256], strides = [1, 1]} : vector<128x512xi32> to vector<128x256xi32>
    %lt3A_125 = arith.cmpf olt, %slice3A_122, %slice3A_121 : vector<128x256xf32>
    %eq3A_126 = arith.cmpf oeq, %slice3A_122, %slice3A_121 : vector<128x256xf32>
    %min3A_127 = arith.minimumf %slice3A_121, %slice3A_122 : vector<128x256xf32>
    %min3A_128 = arith.minsi %slice3A_123, %slice3A_124 : vector<128x256xi32>
    %select_n3A_129 = arith.select %eq3A_126, %min3A_128, %slice3A_123 : vector<128x256xi1>, vector<128x256xi32>
    %select_n3A_130 = arith.select %lt3A_125, %slice3A_124, %select_n3A_129 : vector<128x256xi1>, vector<128x256xi32>
    %slice3A_131 = vector.extract_strided_slice %min3A_127 {offsets = [0, 0], sizes = [128, 128], strides = [1, 1]} : vector<128x256xf32> to vector<128x128xf32>
    %slice3A_132 = vector.extract_strided_slice %min3A_127 {offsets = [0, 128], sizes = [128, 128], strides = [1, 1]} : vector<128x256xf32> to vector<128x128xf32>
    %slice3A_133 = vector.extract_strided_slice %select_n3A_130 {offsets = [0, 0], sizes = [128, 128], strides = [1, 1]} : vector<128x256xi32> to vector<128x128xi32>
    %slice3A_134 = vector.extract_strided_slice %select_n3A_130 {offsets = [0, 128], sizes = [128, 128], strides = [1, 1]} : vector<128x256xi32> to vector<128x128xi32>
    %lt3A_135 = arith.cmpf olt, %slice3A_132, %slice3A_131 : vector<128x128xf32>
    %eq3A_136 = arith.cmpf oeq, %slice3A_132, %slice3A_131 : vector<128x128xf32>
    %min3A_137 = arith.minimumf %slice3A_131, %slice3A_132 : vector<128x128xf32>
    %min3A_138 = arith.minsi %slice3A_133, %slice3A_134 : vector<128x128xi32>
    %select_n3A_139 = arith.select %eq3A_136, %min3A_138, %slice3A_133 : vector<128x128xi1>, vector<128x128xi32>
    %select_n3A_140 = arith.select %lt3A_135, %slice3A_134, %select_n3A_139 : vector<128x128xi1>, vector<128x128xi32>
    %reduce_min3A = arith.constant dense<0x7F800000> : vector<128xf32>
    %reduce_min3A_141 = vector.multi_reduction <minimumf>, %min3A_137, %reduce_min3A [1] : vector<128x128xf32> to vector<128xf32>
    %broadcast_in_dim3A_142 = vector.shape_cast %reduce_min3A_141 : vector<128xf32> to vector<128x1xf32>
    %eq3A_143 = vector.broadcast %broadcast_in_dim3A_142 : vector<128x1xf32> to vector<128x128xf32>
    %eq3A_144 = arith.cmpf oeq, %min3A_137, %eq3A_143 : vector<128x128xf32>
    %jit3A_145 = arith.constant 2147483647 : i32
    %broadcast_in_dim3A_146 = vector.broadcast %jit3A_145 : i32 to vector<128x128xi32>
    %select_n3A_147 = arith.select %eq3A_144, %select_n3A_140, %broadcast_in_dim3A_146 : vector<128x128xi1>, vector<128x128xi32>
    %reduce_min3A_148 = arith.constant dense<2147483647> : vector<128xi32>
    %reduce_min3A_149 = vector.multi_reduction <minsi>, %select_n3A_147, %reduce_min3A_148 [1] : vector<128x128xi32> to vector<128xi32>
    %broadcast_in_dim3A_150 = vector.shape_cast %reduce_min3A_149 : vector<128xi32> to vector<128x1xi32>
    %get3A_151 = arith.constant 0 : index
    %get3A_152 = arith.constant 0 : index
    %get3A_153 = vector.load %arg12[%get3A_151, %get3A_152] : memref<128x1xf32, #tpu.memory_space<vmem>>, vector<128x1xf32>
    %lt3A_154 = arith.cmpf olt, %broadcast_in_dim3A_142, %get3A_153 : vector<128x1xf32>
    %get3A_155 = arith.constant 0 : index
    %get3A_156 = arith.constant 0 : index
    %get3A_157 = vector.load %arg12[%get3A_155, %get3A_156] : memref<128x1xf32, #tpu.memory_space<vmem>>, vector<128x1xf32>
    %eq3A_158 = arith.cmpf oeq, %broadcast_in_dim3A_142, %get3A_157 : vector<128x1xf32>
    %get3A_159 = arith.constant 0 : index
    %get3A_160 = arith.constant 0 : index
    %get3A_161 = vector.load %arg13[%get3A_159, %get3A_160] : memref<128x1xi32, #tpu.memory_space<vmem>>, vector<128x1xi32>
    %lt3A_162 = arith.cmpi slt, %broadcast_in_dim3A_150, %get3A_161 : vector<128x1xi32>
    %and3A = arith.andi %eq3A_158, %lt3A_162 : vector<128x1xi1>
    %or3A_163 = arith.ori %lt3A_154, %and3A : vector<128x1xi1>
    %get3A_164 = arith.constant 0 : index
    %get3A_165 = arith.constant 0 : index
    %get3A_166 = vector.load %arg13[%get3A_164, %get3A_165] : memref<128x1xi32, #tpu.memory_space<vmem>>, vector<128x1xi32>
    %select_n3A_167 = arith.select %or3A_163, %broadcast_in_dim3A_150, %get3A_166 : vector<128x1xi1>, vector<128x1xi32>
    %swap3A_168 = arith.constant 0 : index
    %swap3A_169 = arith.constant 0 : index
    %swap3A_170 = vector.load %arg13[%swap3A_168, %swap3A_169] : memref<128x1xi32, #tpu.memory_space<vmem>>, vector<128x1xi32>
    tpu.vector_store %arg13[%swap3A_168, %swap3A_169], %select_n3A_167 {strides = array<i32>} : memref<128x1xi32, #tpu.memory_space<vmem>>, vector<128x1xi32>,
    %get3A_171 = arith.constant 0 : index
    %get3A_172 = arith.constant 0 : index
    %get3A_173 = vector.load %arg12[%get3A_171, %get3A_172] : memref<128x1xf32, #tpu.memory_space<vmem>>, vector<128x1xf32>
    %select_n3A_174 = arith.select %lt3A_154, %broadcast_in_dim3A_142, %get3A_173 : vector<128x1xi1>, vector<128x1xf32>
    %swap3A_175 = arith.constant 0 : index
    %swap3A_176 = arith.constant 0 : index
    %swap3A_177 = vector.load %arg12[%swap3A_175, %swap3A_176] : memref<128x1xf32, #tpu.memory_space<vmem>>, vector<128x1xf32>
    tpu.vector_store %arg12[%swap3A_175, %swap3A_176], %select_n3A_174 {strides = array<i32>} : memref<128x1xf32, #tpu.memory_space<vmem>>, vector<128x1xf32>,
    %eq3A_178 = arith.constant 3 : i32
    %eq3A_179 = arith.cmpi eq, %arg0, %eq3A_178 : i32
    %convert_element_type3A_180 = arith.extui %eq3A_179 : i1 to i32
    %cond3A_181 = arith.constant 0 : i32
    %cond3A_182 = arith.cmpi ne, %convert_element_type3A_180, %cond3A_181 : i32
    scf.if %cond3A_182 {
      %get3A_183 = arith.constant 0 : index
      %get3A_184 = arith.constant 0 : index
      %get3A_185 = vector.load %arg10[%get3A_183, %get3A_184] : memref<128x1xf32, #tpu.memory_space<vmem>>, vector<128x1xf32>
      %get3A_186 = arith.constant 0 : index
      %get3A_187 = arith.constant 0 : index
      %get3A_188 = vector.load %arg11[%get3A_186, %get3A_187] : memref<128x1xf32, #tpu.memory_space<vmem>>, vector<128x1xf32>
      %div3A = arith.divf %get3A_185, %get3A_188 : vector<128x1xf32>
      %get3A_189 = arith.constant 0 : index
      %get3A_190 = arith.constant 0 : index
      %get3A_191 = vector.load %arg8[%get3A_189, %get3A_190] : memref<128x1xf32, #tpu.memory_space<vmem>>, vector<128x1xf32>
      %get3A_192 = arith.constant 0 : index
      %get3A_193 = arith.constant 0 : index
      %get3A_194 = vector.load %arg9[%get3A_192, %get3A_193] : memref<128x1xf32, #tpu.memory_space<vmem>>, vector<128x1xf32>
      %log3A = math.log %get3A_194 : vector<128x1xf32>
      %add3A_195 = arith.addf %get3A_191, %log3A : vector<128x1xf32>
      %sub3A_196 = arith.subf %div3A, %add3A_195 : vector<128x1xf32>
      %mul3A_197 = arith.constant -1.000000e+00 : f32
      %mul3A_198 = vector.broadcast %mul3A_197 : f32 to vector<128x1xf32>
      %mul3A_199 = arith.mulf %mul3A_198, %sub3A_196 : vector<128x1xf32>
      %reduce_sum3A_200 = arith.constant dense<0.000000e+00> : vector<1xf32>
      %reduce_sum3A_201 = vector.multi_reduction <add>, %mul3A_199, %reduce_sum3A_200 [0] : vector<128x1xf32> to vector<1xf32>
      %broadcast_in_dim3A_202 = vector.shape_cast %reduce_sum3A_201 : vector<1xf32> to vector<1x1xf32>
      %mul3A_203 = arith.constant 7.812500e-03 : f32
      %mul3A_204 = vector.broadcast %mul3A_203 : f32 to vector<1x1xf32>
      %mul3A_205 = arith.mulf %broadcast_in_dim3A_202, %mul3A_204 : vector<1x1xf32>
      %swap3A_206 = arith.constant 0 : index
      %swap3A_207 = arith.constant 0 : index
      %swap3A_208 = vector.load %arg6[%swap3A_206, %swap3A_207] : memref<1x1xf32, #tpu.memory_space<vmem>>, vector<1x1xf32>
      tpu.vector_store %arg6[%swap3A_206, %swap3A_207], %mul3A_205 {strides = array<i32>} : memref<1x1xf32, #tpu.memory_space<vmem>>, vector<1x1xf32>,
      %get3A_209 = arith.constant 0 : index
      %get3A_210 = arith.constant 0 : index
      %get3A_211 = vector.load %arg13[%get3A_209, %get3A_210] : memref<128x1xi32, #tpu.memory_space<vmem>>, vector<128x1xi32>
      %swap3A_212 = arith.constant 0 : index
      %swap3A_213 = arith.constant 0 : index
      %swap3A_214 = vector.load %arg7[%swap3A_212, %swap3A_213] : memref<128x1xi32, #tpu.memory_space<vmem>>, vector<128x1xi32>
      tpu.vector_store %arg7[%swap3A_212, %swap3A_213], %get3A_211 {strides = array<i32>} : memref<128x1xi32, #tpu.memory_space<vmem>>, vector<128x1xi32>,
    } else {
    }
    return
  }
  func.func @transform_0(%arg0: i32) -> (i32, i32) {
    %c0_i32 = arith.constant 0 : i32
    %c0_i32_0 = arith.constant 0 : i32
    return %c0_i32, %arg0 : i32, i32
  }
  func.func @transform_1(%arg0: i32) -> (i32, i32) {
    %c0_i32 = arith.constant 0 : i32
    %c0_i32_0 = arith.constant 0 : i32
    return %c0_i32, %arg0 : i32, i32
  }
  func.func @transform_2(%arg0: i32) -> (i32, i32) {
    %c0_i32 = arith.constant 0 : i32
    %c0_i32_0 = arith.constant 0 : i32
    return %c0_i32, %arg0 : i32, i32
  }
  func.func @transform_3(%arg0: i32) -> (i32, i32) {
    %c0_i32 = arith.constant 0 : i32
    %c0_i32_0 = arith.constant 0 : i32
    %c0_i32_1 = arith.constant 0 : i32
    return %c0_i32, %c0_i32_0 : i32, i32
  }
  func.func @transform_4(%arg0: i32) -> (i32, i32) {
    %c0_i32 = arith.constant 0 : i32
    %c0_i32_0 = arith.constant 0 : i32
    %c0_i32_1 = arith.constant 0 : i32
    return %c0_i32, %c0_i32_0 : i32, i32
  }
  func.func @transform_5(%arg0: i32) -> (i32, i32) {
    %c0_i32 = arith.constant 0 : i32
    %c0_i32_0 = arith.constant 0 : i32
    %c0_i32_1 = arith.constant 0 : i32
    return %c0_i32, %c0_i32_0 : i32, i32
  }
  func.func @transform_6(%arg0: i32) -> (i32, i32) {
    %c0_i32 = arith.constant 0 : i32
    %c0_i32_0 = arith.constant 0 : i32
    %c0_i32_1 = arith.constant 0 : i32
    return %c0_i32, %c0_i32_0 : i32, i32
  }
}

</mosaic_0001>

<sc_bundles>
// kernel: kernel.4.cloned.1.call-start
scs
__scs_entry_jumppad:
0x0: {  	(pc) =	sbr.rel $0x88, $3  }
0x1: {  	(tag) =	ssettag $0x0;
	lr =	simm.s32 $0x1  }
0x2: {  	[smem:$0x3F9B] =	sst lr;
	_ =	strace $0xD0000000  }
0x3: {  	_ = 	snop  }
0x4: {  	_ = 	snop  }
0x5: {  	_ = 	snop  }
0x6: {  	_ = 	snop  }
0x7: {  	_ = 	snop  }
__scs_overlays_trampoline_lowered:
0x8: {  	[smem:$0x3FAA] =	sst s0  }
0x9: {  	[smem:$0x3FAB] =	sst s1  }
0xa: {  	[smem:$0x3FAC] =	sst s2  }
0xb: {  	[smem:$0x3FAD] =	sst s3  }
0xc: {  	[smem:$0x3FAE] =	sst s4  }
0xd: {  	[smem:$0x3FAF] =	sst s5  }
0xe: {  	[smem:$0x3FB0] =	sst s6  }
0xf: {  	[smem:$0x3FB1] =	sst s7  }
0x10: {  	[smem:$0x3FB2] =	sst s8  }
0x11: {  	[smem:$0x3FB3] =	sst s9;
	s0 =	simm.s32 @!p0 $0x0  }
0x12: {  	s1 =	sld [smem:$0x3F99];
	s0 =	simm.s32 @p0 $0x1  }
0x13: {  	[smem:$0x3FB4] =	sst s0;
	s0 =	simm.s32 @!p1 $0x0  }
0x14: {  	s2 =	sld [smem:$0x3F98];
	s0 =	simm.s32 @p1 $0x1  }
0x15: {  	[smem:$0x3FB5] =	sst s0;
	s0 =	simm.s32 @!p2 $0x0  }
0x16: {  	s3 =	sld [smem:$0x3FDB];
	s0 =	simm.s32 @p2 $0x1  }
0x17: {  	s4 =	simm.s32 $0x1BF5;
	[smem:$0x3FB7] =	sst s0  }
0x18: {  	s0 =	sld [smem:$0x3F9A];
	_ =	swait.ge [sflag:s4], $0x0  }
0x19: {  	s7 =	sld [smem:$0x3F9B]  }
0x1a: {  	s8 =	sadd.s32 $0xFFFFE003, lr  }
0x1b: {  	s9 =	sadd.s32 $0xFFFFFEF7, lr;
	s5 =	simm.s32 $0xFFFFFFFF;
	p2 =	slt.u32 s8, $0xFFFFF086  }
0x1c: {  	p1 =	slt.u32 s9, $0xF7A;
	s5 =	simm.s32 @!p2 $0x0  }
0x1d: {  	s5 =	simm.s32 @p1 $0x1;
	p0 =	seq.s32 s7, s2  }
0x1e: {  	s7 =	smul.u32 @!p0 $0xF7A, s2;
	p2 =	seq.s32 @!p0 s5, $0x0  }
0x1f: {  	s9 =	smul.u32 $0xF7A, s1;
	s8 =	simm.s32 @!p0 $0x1BF5;
	p2 =	por !p2, p0  }
0x20: {  	[sflag:s8] =	ssyncset.s32 @!p0 $0xFFFFF086;
	s6 =	sadd.s32 @!p0 s3, s7;
	s7 =	simm.s32 @!p0 $0x108  }
0x21: {  	s3 =	sadd.s32 s3, s9;
	s6 =	sadd.s32 @!p0 $0x88, s6;
	s7 =	simm.s32 @p2 $0x1082  }
0x22: {  	[simem:s7], [sflag:s8] =	dma.local @!p0 [hbm:s6], $0xF7A  }
0x23: {  	s9 =	sor.u32 $0xD0000000, s2;
	s6 =	simm.s32 $0x108;
	_ =	swait.ge @!p0 [sflag:s8], $0x0  }
0x24: {  	s3 =	sadd.s32 $0x88, s3;
	s6 =	simm.s32 @!p1 $0x1082;
	[sflag:s4] =	ssyncset.s32 $0xFFFFF086  }
0x25: {  	[simem:s6], [sflag:s4] =	dma.local [hbm:s3], $0xF7A  }
0x26: {  	[smem:$0x3F9B] =	sst s1;
	(tag) =	ssettag s2;
	_ =	strace s9  }
0x27: {  	s1 =	sld [smem:$0x3FAB]  }
0x28: {  	s2 =	sld [smem:$0x3FAC]  }
0x29: {  	s4 =	sld [smem:$0x3FAE]  }
0x2a: {  	p0 =	seq.s32 s5, $0x0;
	s5 =	sld [smem:$0x3FAF]  }
0x2b: {  	s6 =	sld [smem:$0x3FB0]  }
0x2c: {  	s7 =	sld [smem:$0x3FB1]  }
0x2d: {  	s3 =	simm.s32 $0x108;
	s8 =	sld [smem:$0x3FB2]  }
0x2e: {  	s3 =	simm.s32 @!p0 $0x1082;
	s9 =	sld [smem:$0x3FB3]  }
0x2f: {  	lr =	sadd.s32 s0, s3;
	s0 =	sld [smem:$0x3FAA]  }
0x30: {  	s3 =	sld [smem:$0x3FAD]  }
0x31: {  	[smem:$0x3FB6] =	sst s10  }
0x32: {  	s10 =	sld [smem:$0x3FB4];
	_ =	sdelay $0x3  }
0x33: {  	p0 =	seq.s32 s10, $0x1;
	s10 =	sld [smem:$0x3FB6];
	_ =	sdelay $0x3  }
0x34: {  	[smem:$0x3FB6] =	sst s10  }
0x35: {  	s10 =	sld [smem:$0x3FB5];
	_ =	sdelay $0x3  }
0x36: {  	p1 =	seq.s32 s10, $0x1;
	s10 =	sld [smem:$0x3FB6];
	_ =	sdelay $0x3  }
0x37: {  	[smem:$0x3FB6] =	sst s10  }
0x38: {  	s10 =	sld [smem:$0x3FB7]  }
0x39: {  	_ = 	snop;
	(pc) =	sbr.ind lr, $3  }
0x3a: {  	_ = 	snop  }
0x3b: {  	_ = 	snop  }
0x3c: {  	p2 =	seq.s32 s10, $0x1;
	s10 =	sld [smem:$0x3FB6]  }
0x3d: {  	_ =	shalt  }
0x3e: {  	_ =	shalt  }
0x3f: {  	_ =	shalt  }
0x40: {  	_ =	shalt  }
0x41: {  	_ =	shalt  }
0x42: {  	_ =	shalt  }
0x43: {  	_ =	shalt  }
0x44: {  	_ =	shalt  }
0x45: {  	_ =	shalt  }
0x46: {  	_ =	shalt  }
0x47: {  	_ =	shalt  }
0x48: {  	_ =	shalt  }
0x49: {  	_ =	shalt  }
0x4a: {  	_ =	shalt  }
0x4b: {  	_ =	shalt  }
0x4c: {  	_ =	shalt  }
0x4d: {  	_ =	shalt  }
0x4e: {  	_ =	shalt  }
0x4f: {  	_ =	shalt  }
0x50: {  	_ =	shalt  }
0x51: {  	_ =	shalt  }
0x52: {  	_ =	shalt  }
0x53: {  	_ =	shalt  }
0x54: {  	_ =	shalt  }
0x55: {  	_ =	shalt  }
0x56: {  	_ =	shalt  }
0x57: {  	_ =	shalt  }
0x58: {  	_ =	shalt  }
0x59: {  	_ =	shalt  }
0x5a: {  	_ =	shalt  }
0x5b: {  	_ =	shalt  }
0x5c: {  	_ =	shalt  }
0x5d: {  	_ =	shalt  }
0x5e: {  	_ =	shalt  }
0x5f: {  	_ =	shalt  }
0x60: {  	_ =	shalt  }
0x61: {  	_ =	shalt  }
0x62: {  	_ =	shalt  }
0x63: {  	_ =	shalt  }
0x64: {  	_ =	shalt  }
0x65: {  	_ =	shalt  }
0x66: {  	_ =	shalt  }
0x67: {  	_ =	shalt  }
0x68: {  	_ =	shalt  }
0x69: {  	_ =	shalt  }
0x6a: {  	_ =	shalt  }
0x6b: {  	_ =	shalt  }
0x6c: {  	_ =	shalt  }
0x6d: {  	_ =	shalt  }
0x6e: {  	_ =	shalt  }
0x6f: {  	_ =	shalt  }
0x70: {  	_ =	shalt  }
0x71: {  	_ =	shalt  }
0x72: {  	_ =	shalt  }
0x73: {  	_ =	shalt  }
0x74: {  	_ =	shalt  }
0x75: {  	_ =	shalt  }
0x76: {  	_ =	shalt  }
0x77: {  	_ =	shalt  }
0x78: {  	_ =	shalt  }
0x79: {  	_ =	shalt  }
0x7a: {  	_ =	shalt  }
0x7b: {  	_ =	shalt  }
0x7c: {  	_ =	shalt  }
0x7d: {  	_ =	shalt  }
0x7e: {  	_ =	shalt  }
0x7f: {  	_ =	shalt  }
0x80: {  	_ =	shalt  }
0x81: {  	_ =	shalt  }
0x82: {  	_ =	shalt  }
0x83: {  	_ =	shalt  }
0x84: {  	_ =	shalt  }
0x85: {  	_ =	shalt  }
0x86: {  	_ =	shalt  }
0x87: {  	_ =	shalt  }
.Lfunc_end0:
.L_simem_size_0:
called_computation_lowered:
.L_overlay_start_0:
0x88: {  	s0 =	sld [smem:$0x3FD9]  }
0x89: {  	s1 =	sld [smem:$0x3FFE];
	_ =	sdelay $0x3  }
0x8a: {  	s0 =	sadd.s32 s1, s0  }
0x8b: {  	[smem:$0x3FC2] =	sst s0  }
0x8c: {  	_ = 	snop  }
0x8d: {  	s0 =	sld [smem:$0x3FD0];
	_ =	sdelay $0x2  }
0x8e: {  	s2 =	simm.s32 $0xA;
	s3 =	simm.s32 $0x10;
	s13 =	sld [smem:$0x3FC9]  }
0x8f: {  	[smem:s3], [sflag:s2] =	dma.local [hbm:s0], $0x1  }
0x90: {  	_ =	swait.eq [sflag:s2], $0x1  }
0x91: {  	[sflag:s2] =	ssyncset.done $0x0  }
0x92: {  	[sflag:s2] =	ssyncadd.s32 $0xFFFFFFFF  }
0x93: {  	s14 =	sld [smem:$0x11];
	(tm) =	ssettm $0x1  }
0x94: {  	s15 =	sld [smem:$0x3FFB];
	_ =	sdelay $0x3  }
0x95: {  	_ =	strace s15  }
0x96: {  	s2 =	sld [smem:$0x3FFC];
	_ =	sdelay $0x3  }
0x97: {  	_ =	strace s2  }
0x98: {  	s2 =	sld [smem:$0x3FFD];
	_ =	sdelay $0x3  }
0x99: {  	_ =	strace s2  }
0x9a: {  	_ =	strace $0x8FFFFFFF  }
0x9b: {  	s16 =	sld [smem:$0x3FDB];
	_ =	sdelay $0x1  }
0x9c: {  	s17 =	simm.s32 $_scs_section_size  }
0x9d: {  	s4 =	simm.s32 $_size__tile_overlayer_lowered;
	s5 =	simm.s32 $_tile_overlayer_lowered  }
0x9e: {  	s20 =	simm.s32 $0x1BFF;
	s19 =	sshll.u32 s5, $0x1;
	s2 =	sadd.s32 s17, s16  }
0x9f: {  	s6 =	simm.s32 $0x0;
	s18 =	sshll.u32 s4, $0x1;
	s4 =	sadd.s32 s19, s2  }
0xa0: {  	[timem:s6], [sflag:s20] =	dma.local [hbm:s4], s18  }
0xa1: {  	_ =	swait.ge [sflag:s20], s18  }
0xa2: {  	s3 =	ssub.s32 $0x0, s18;
	[sflag:s20] =	ssyncset.done $0x0  }
0xa3: {  	[sflag:s20] =	ssyncadd.s32 s3;
	_ =	sdelay $0x1  }
0xa4: {  	s21 =	simm.s32 $0x1B8B  }
0xa5: {  	_ =	swait.ge [sflag:s21], $0x1  }
0xa6: {  	[sflag:s21] =	ssyncset.done $0x0  }
0xa7: {  	s23 =	simm.s32 $0x1B8E;
	s22 =	sld [smem:$0x3FFE];
	[sflag:s21] =	ssyncadd.s32 $0xFFFFFFFF  }
0xa8: {  	s24 =	simm.s32 $execute0_lowered;
	[smem:$0x3FD2] =	sst s23  }
0xa9: {  	s4 =	sshll.u32 s24, $0x1;
	_ =	strace $0x80000046;
	[dreg:$0x1] =	wrdreg $0xFFFFFFFF  }
0xaa: {  	s25 =	simm.s32 $_size_execute0_lowered;
	s2 =	sadd.s32 s2, s4;
	[dreg:$0x0] =	wrdreg $0x0  }
0xab: {  	s4 =	sshll.u32 s25, $0x1;
	[dreg:$0x2] =	wrdreg s2  }
0xac: {  	[dreg:$0x3] =	wrdreg s4  }
0xad: {  	[dreg:$0x4] =	wrdreg $0xC0  }
0xae: {  	_ =	task [dreg:s6], $0x5FFFF  }
0xaf: {  	[dreg:$0x1] =	wrdreg $0xFFFFFFFF  }
0xb0: {  	[dreg:$0x0] =	wrdreg $0x60  }
0xb1: {  	[dreg:$0x2] =	wrdreg s13  }
0xb2: {  	[dreg:$0x3] =	wrdreg s22  }
0xb3: {  	[dreg:$0x4] =	wrdreg s14  }
0xb4: {  	[dreg:$0x5] =	wrdreg $0x9  }
0xb5: {  	_ =	task.clear_ibuf [dreg:s6], $0x6FFFF;
	_ =	strace $0x90000046  }
0xb6: {  	s26 =	simm.s32 $0x9;
	_ =	strace $0x80000048  }
0xb7: {  	_ =	swait.ge [sflag:s26], $0x1  }
0xb8: {  	[sflag:s26] =	ssyncadd.s32 $0xFFFFFFFF  }
0xb9: {  	_ =	strace $0x90000048  }
0xba: {  	_ =	sfence  }
0xbb: {  	s28 =	sld [smem:$0x0];
	_ =	sdelay $0x1  }
0xbc: {  	s29 =	srdreg.scid  }
0xbd: {  	s30 =	sshll.u32 s29, $0xD;
	s31 =	sshrl.u32 s29, $0x2  }
0xbe: {  	s1 =	sand.u32 $0x1, s29;
	s2 =	sand.u32 $0x4000, s30;
	s0 =	sadd.s32 s31, s28  }
0xbf: {  	s1 =	sor.u32 s2, s1;
	s0 =	sshll.u32 s0, $0x11  }
0xc0: {  	s0 =	sor.u32 s0, s1  }
0xc1: {  	s0 =	sadd.s32 $0x8F2B, s0  }
0xc2: {  	[sflag:s0] =	ssyncadd.remote.s32 $0x1  }
0xc3: {  	_ =	sfence.sel $0xFFFF  }
0xc4: {  	[dreg:$0x0] =	wrdreg $0xFFFFFFFF;
	(pc) =	sbr.abs _section_cstart, $3  }
0xc5: {  	[dreg:$0x1] =	wrdreg $0xFFFFFFFF  }
0xc6: {  	_ =	task.clear_ibuf [dreg:s6], $0x2FFFF;
	_ =	strace $0x9FFFFFFF  }
0xc7: {  	(tm) =	ssettm $0x7FFFFFFF  }
tec
execute0_lowered:
.L_overlay_start_1:
0x0: {  	(tag) =	ssettag $0x1  }
0x1: {  	s0 =	rddreg [dreg:$0x0]  }
0x2: {  	s1 =	rddreg [dreg:$0x1]  }
0x3: {  	s2 =	rddreg [dreg:$0x2]  }
0x4: {  	s3 =	rddreg [dreg:$0x3];
	s4 =	simm.s32 $0x0;
	s5 =	stileid.u32  }
0x5: {  	[smem:$0x7FF] =	sst s4;
	s1 =	sadd.s32 s5, s1  }
0x6: {  	s17 =	simm.s32 $0x2;
	_ =	strace $0x80000047;
	s1 =	sadd.s32 $0x800, s1  }
0x7: {  	[tilespmem:s4], [sflag:$0x2] =	stream.linear.gather [hbm4b:s1+s4], $0x8, $0x38;
	[tilespmem:$0x4080] =	vst v63  }
0x8: {  	_ =	swait.ge [sflag:s17], $0x8  }
0x9: {  	[sflag:s17] =	ssyncset.done $0x0  }
0xa: {  	[sflag:s17] =	ssyncadd.s32 $0xFFFFFFF8  }
0xb: {  	v0 =	vld.msk [tilespmem:$0x0], $0xff;
	_ =	sdelay $0x4  }
0xc: {  	v1 =	vshll.u32 v0, $0x4  }
0xd: {  	v2 =	vlaneseq.u32;
	v0 =	vand.u32 $0x7, v0;
	v1 =	vand.u32 $0xFFFFFF80, v1  }
0xe: {  	v62 =	vand.u32 $0x7, v2;
	v2 =	vshrl.u32 v2, $0x3;
	v0 =	vor.u32 v0, v1  }
0xf: {  	v63 =	vmul.u32 $0x8, v2;
	v0 =	vperm.xlane v0, v62;
	_ =	sdelay $0x1  }
0x10: {  	v0 =	vadd.s32 v63, v0;
	_ =	sdelay $0x3  }
0x11: {  	vm0 =	vmmov $0xffff;
	s6 =	simm.s32 $0x80  }
0x12: {  	[tilespmem:s6], [sflag:$0x1] =	stream.indirect_vreg.gather [hbm4b:s0+s4], $0x80, v0, vm0, $0xb8;
	[tilespmem:$0x4080] =	vst v63  }
0x13: {  	s8 =	simm.s32 $0x880;
	s7 =	sadd.s32 $0x100, s0  }
0x14: {  	[tilespmem:s8], [sflag:$0x1] =	stream.indirect_vreg.gather [hbm4b:s7+s4], $0x80, v0, vm0, $0xb8;
	[tilespmem:$0x4080] =	vst v63  }
0x15: {  	s19 =	simm.s32 $0x1080;
	s18 =	sadd.s32 $0x200, s0  }
0x16: {  	[tilespmem:s19], [sflag:$0x1] =	stream.indirect_vreg.gather [hbm4b:s18+s4], $0x80, v0, vm0, $0xb8;
	[tilespmem:$0x4080] =	vst v63  }
0x17: {  	s21 =	simm.s32 $0x1880;
	s20 =	sadd.s32 $0x300, s0  }
0x18: {  	[tilespmem:s21], [sflag:$0x1] =	stream.indirect_vreg.gather [hbm4b:s20+s4], $0x80, v0, vm0, $0xb8;
	[tilespmem:$0x4080] =	vst v63  }
0x19: {  	s23 =	simm.s32 $0x2080;
	s22 =	sadd.s32 $0x400, s0  }
0x1a: {  	[tilespmem:s23], [sflag:$0x1] =	stream.indirect_vreg.gather [hbm4b:s22+s4], $0x80, v0, vm0, $0xb8;
	[tilespmem:$0x4080] =	vst v63  }
0x1b: {  	s25 =	simm.s32 $0x2880;
	s24 =	sadd.s32 $0x500, s0  }
0x1c: {  	[tilespmem:s25], [sflag:$0x1] =	stream.indirect_vreg.gather [hbm4b:s24+s4], $0x80, v0, vm0, $0xb8;
	[tilespmem:$0x4080] =	vst v63  }
0x1d: {  	s28 =	simm.s32 $0x3080;
	s26 =	sadd.s32 $0x600, s0  }
0x1e: {  	[tilespmem:s28], [sflag:$0x1] =	stream.indirect_vreg.gather [hbm4b:s26+s4], $0x80, v0, vm0, $0xb8;
	[tilespmem:$0x4080] =	vst v63  }
0x1f: {  	s29 =	simm.s32 $0x3880;
	s30 =	simm.s32 $0x1;
	s0 =	sadd.s32 $0x700, s0  }
0x20: {  	[tilespmem:s29], [sflag:$0x1] =	stream.indirect_vreg.gather [hbm4b:s0+s4], $0x80, v0, vm0, $0xb8;
	[tilespmem:$0x4080] =	vst v63  }
0x21: {  	_ =	swait.ge [sflag:s30], $0x4000  }
0x22: {  	s31 =	sshll.u32 s5, $0xB;
	[sflag:s30] =	ssyncset.done $0x0  }
0x23: {  	s2 =	sadd.s32 s2, s31;
	[sflag:s30] =	ssyncadd.s32 $0xFFFFC000  }
0x24: {  	[hbm4b:s2+s4] =	stream.linear.scatter [tilespmem:s6], [sflag:$0x2], $0x4000, $0x38;
	[tilespmem:$0x4080] =	vst v63  }
0x25: {  	_ =	swait.ge [sflag:s17], $0x4000  }
0x26: {  	[sflag:s17] =	ssyncset.done $0x0  }
0x27: {  	[sflag:s17] =	ssyncadd.s32 $0xFFFFC000  }
0x28: {  	_ =	sfence.sel $0x180000  }
0x29: {  	[bflag:$0x0] =	sbarrier.arrive $0xFFFF  }
0x2a: {  	p0 =	sne.s32 s5, $0x0;
	_ =	strace $0x90000047  }
0x2b: {  	s0 =	sadd.s32 @!p0 $0x100000, s3;
	[bflag:$0x2] =	sbarrier.arrive $0xFFFF  }
0x2c: {  	[sflag:s0] =	ssyncadd.tile.s32 @!p0 $0x1;
	_ =	shalt  }
.Lfunc_end2:
_tile_overlayer_lowered:
.L_overlay_start_2:
0x2d: {  	(tag) =	ssettag $0x2  }
0x2e: {  	s0 =	rddreg [dreg:$0x0];
	s2 =	stileid.u32  }
0x2f: {  	s1 =	rddreg [dreg:$0x1];
	p0 =	sne.s32 s2, $0x0  }
0x30: {  	s3 =	rddreg [dreg:$0x2];
	[bflag:$0x3] =	sbarrier.arrive $0xFFFF;
	s2 =	simm.s32 @!p0 $0x1C02  }
0x31: {  	[timem:s3], [sflag:s2] =	dma.local @!p0 [hbm:s0], s1  }
0x32: {  	s0 =	simm.s32 @!p0 $0x2  }
0x33: {  	_ =	swait.ge @!p0 [sflag:s0], s1  }
0x34: {  	s1 =	ssub.s32 @!p0 $0x0, s1;
	[sflag:s0] =	ssyncset.done @!p0 $0x0  }
0x35: {  	[sflag:s0] =	ssyncadd.s32 @!p0 s1  }
0x36: {  	[bflag:$0x3] =	sbarrier.arrive $0xFFFF  }
0x37: {  	_ =	shalt  }

</sc_bundles>
